<compile_context>
chip_gen: v7x
topology: tpu7x:2x2x1
jax: 0.10.2.dev20260603
libtpu: 0.0.44.dev20260713+nightly
codegen_flags: <defaults>
</compile_context>

<pallas_src>
import jax
import jax.numpy as jnp
from jax import lax
from jax.experimental import pallas as pl
from jax.experimental.pallas import tpu as pltpu
from jax.experimental.pallas import tpu_sc as plsc

_N = 12


def _compact_body(in_hbm, out_hbm, in_s, out_s):
    pltpu.sync_copy(in_hbm, in_s)

    cnt = jnp.int32(0)
    plan = []
    for i in range(_N):
        ok = in_s[i] < 1.0
        plan.append((i, cnt))
        cnt = cnt + jnp.where(ok, 1, 0)

    for i, pos in plan:
        out_s[pos] = in_s[_N + i]

    st0 = in_s[_N]

    def pad_cond(j):
        return j < _N

    def pad_body(j):
        out_s[j] = st0
        return j + 1

    lax.while_loop(pad_cond, pad_body, cnt)

    pltpu.sync_copy(out_s, out_hbm)


def kernel(t2, stored_tensor):
    packed = jnp.concatenate([t2.reshape(-1), stored_tensor.reshape(-1)])
    mesh = plsc.ScalarSubcoreMesh(axis_name="c", num_cores=1)
    run = pl.kernel(
        _compact_body,
        mesh=mesh,
        out_type=jax.ShapeDtypeStruct((_N,), jnp.float32),
        scratch_types=[
            pltpu.SMEM((2 * _N,), jnp.float32),
            pltpu.SMEM((_N,), jnp.float32),
        ],
        compiler_params=pltpu.CompilerParams(needs_layout_passes=False),
    )
    return run(packed)

# --- scband reference (transcript-rebuilt; emitter-appended) ---
"""Pipeline reference for scband-my-model-87454124082056 (READ-ONLY COPY).

The authoritative reference and input builder live on the scoring server;
editing this copy changes nothing except your own understanding.
"""

import jax, jax.numpy as jnp
import numpy as np


def setup_inputs(seed: int = 0) -> dict:
    key = jax.random.key(seed)
    k1, k2 = jax.random.split(key)
    # forward input: values in [0,1) so mask (t2 < 1) is all True
    t2 = jax.random.uniform(k1, (2, 2, 3), dtype=jnp.float32)
    # buffer registered in __init__: torch.rand(2, 2, 3)
    stored_tensor = jax.random.uniform(k2, (2, 2, 3), dtype=jnp.float32)
    return {"t2": t2, "stored_tensor": stored_tensor}


def reference(t2, stored_tensor):
    # mask = t2 < 1 ; return stored_tensor[mask]
    mask = t2 < 1
    # boolean mask has same shape as stored_tensor -> element-wise select,
    # result is a 1-D gather of the flattened tensor at True positions
    idx = jnp.nonzero(mask.ravel(), size=mask.size)[0]
    out = jnp.take(stored_tensor.ravel(), idx, axis=0)
    return out

if __name__ == "__main__":
    import jax
    _d = setup_inputs()
    print(jax.jit(kernel)(*tuple(_d.values())))

</pallas_src>

<mosaic_0001>
#map = affine_map<(d0) -> (0)>
module attributes {stable_mosaic.version = 14 : i64} {
  func.func @_compact_body(%arg0: i32, %arg1: memref<24xf32, #tpu.memory_space<hbm>>, %arg2: memref<12xf32, #tpu.memory_space<hbm>>, %arg3: memref<24xf32, #tpu.memory_space<smem>>, %arg4: memref<12xf32, #tpu.memory_space<smem>>) attributes {dimension_semantics = [#tpu.dimension_semantics<core_parallel>], iteration_bounds = array<i64: 1>, scalar_prefetch = 0 : i64, scratch_operands = 2 : i64, tpu.core_type = #tpu.core_type<sc_scalar_subcore>, window_params = [{transform_indices = #map}, {transform_indices = #map}]} {
    "tpu.region"() ({
      %run_scoped3A = tpu.sem_alloc : memref<!tpu.dma_semaphore, #tpu.memory_space<semaphore_mem>>
      tpu.enqueue_dma source(%arg1 : memref<24xf32, #tpu.memory_space<hbm>>) target(%arg3 : memref<24xf32, #tpu.memory_space<smem>>) target_semaphore(%run_scoped3A : memref<!tpu.dma_semaphore, #tpu.memory_space<semaphore_mem>>)
      tpu.wait_dma2 semaphore(%run_scoped3A : memref<!tpu.dma_semaphore, #tpu.memory_space<semaphore_mem>>) src(%arg1 : memref<24xf32, #tpu.memory_space<hbm>>) dst(%arg3 : memref<24xf32, #tpu.memory_space<smem>>)
      tpu.yield
    }) : () -> ()
    %get3A = arith.constant 0 : i32
    %get3A_0 = arith.index_cast %get3A : i32 to index
    %get3A_1 = memref.load %arg3[%get3A_0] : memref<24xf32, #tpu.memory_space<smem>>
    %lt3A = arith.constant 1.000000e+00 : f32
    %lt3A_2 = arith.cmpf olt, %get3A_1, %lt3A : f32
    %jit3A = arith.constant 1 : i32
    %jit3A_3 = arith.constant 0 : i32
    %select_n3A = arith.select %lt3A_2, %jit3A, %jit3A_3 : i32
    %add3A = arith.constant 0 : i32
    %add3A_4 = arith.addi %add3A, %select_n3A : i32
    %get3A_5 = arith.constant 1 : i32
    %get3A_6 = arith.index_cast %get3A_5 : i32 to index
    %get3A_7 = memref.load %arg3[%get3A_6] : memref<24xf32, #tpu.memory_space<smem>>
    %lt3A_8 = arith.constant 1.000000e+00 : f32
    %lt3A_9 = arith.cmpf olt, %get3A_7, %lt3A_8 : f32
    %jit3A_10 = arith.constant 1 : i32
    %jit3A_11 = arith.constant 0 : i32
    %select_n3A_12 = arith.select %lt3A_9, %jit3A_10, %jit3A_11 : i32
    %add3A_13 = arith.addi %add3A_4, %select_n3A_12 : i32
    %get3A_14 = arith.constant 2 : i32
    %get3A_15 = arith.index_cast %get3A_14 : i32 to index
    %get3A_16 = memref.load %arg3[%get3A_15] : memref<24xf32, #tpu.memory_space<smem>>
    %lt3A_17 = arith.constant 1.000000e+00 : f32
    %lt3A_18 = arith.cmpf olt, %get3A_16, %lt3A_17 : f32
    %jit3A_19 = arith.constant 1 : i32
    %jit3A_20 = arith.constant 0 : i32
    %select_n3A_21 = arith.select %lt3A_18, %jit3A_19, %jit3A_20 : i32
    %add3A_22 = arith.addi %add3A_13, %select_n3A_21 : i32
    %get3A_23 = arith.constant 3 : i32
    %get3A_24 = arith.index_cast %get3A_23 : i32 to index
    %get3A_25 = memref.load %arg3[%get3A_24] : memref<24xf32, #tpu.memory_space<smem>>
    %lt3A_26 = arith.constant 1.000000e+00 : f32
    %lt3A_27 = arith.cmpf olt, %get3A_25, %lt3A_26 : f32
    %jit3A_28 = arith.constant 1 : i32
    %jit3A_29 = arith.constant 0 : i32
    %select_n3A_30 = arith.select %lt3A_27, %jit3A_28, %jit3A_29 : i32
    %add3A_31 = arith.addi %add3A_22, %select_n3A_30 : i32
    %get3A_32 = arith.constant 4 : i32
    %get3A_33 = arith.index_cast %get3A_32 : i32 to index
    %get3A_34 = memref.load %arg3[%get3A_33] : memref<24xf32, #tpu.memory_space<smem>>
    %lt3A_35 = arith.constant 1.000000e+00 : f32
    %lt3A_36 = arith.cmpf olt, %get3A_34, %lt3A_35 : f32
    %jit3A_37 = arith.constant 1 : i32
    %jit3A_38 = arith.constant 0 : i32
    %select_n3A_39 = arith.select %lt3A_36, %jit3A_37, %jit3A_38 : i32
    %add3A_40 = arith.addi %add3A_31, %select_n3A_39 : i32
    %get3A_41 = arith.constant 5 : i32
    %get3A_42 = arith.index_cast %get3A_41 : i32 to index
    %get3A_43 = memref.load %arg3[%get3A_42] : memref<24xf32, #tpu.memory_space<smem>>
    %lt3A_44 = arith.constant 1.000000e+00 : f32
    %lt3A_45 = arith.cmpf olt, %get3A_43, %lt3A_44 : f32
    %jit3A_46 = arith.constant 1 : i32
    %jit3A_47 = arith.constant 0 : i32
    %select_n3A_48 = arith.select %lt3A_45, %jit3A_46, %jit3A_47 : i32
    %add3A_49 = arith.addi %add3A_40, %select_n3A_48 : i32
    %get3A_50 = arith.constant 6 : i32
    %get3A_51 = arith.index_cast %get3A_50 : i32 to index
    %get3A_52 = memref.load %arg3[%get3A_51] : memref<24xf32, #tpu.memory_space<smem>>
    %lt3A_53 = arith.constant 1.000000e+00 : f32
    %lt3A_54 = arith.cmpf olt, %get3A_52, %lt3A_53 : f32
    %jit3A_55 = arith.constant 1 : i32
    %jit3A_56 = arith.constant 0 : i32
    %select_n3A_57 = arith.select %lt3A_54, %jit3A_55, %jit3A_56 : i32
    %add3A_58 = arith.addi %add3A_49, %select_n3A_57 : i32
    %get3A_59 = arith.constant 7 : i32
    %get3A_60 = arith.index_cast %get3A_59 : i32 to index
    %get3A_61 = memref.load %arg3[%get3A_60] : memref<24xf32, #tpu.memory_space<smem>>
    %lt3A_62 = arith.constant 1.000000e+00 : f32
    %lt3A_63 = arith.cmpf olt, %get3A_61, %lt3A_62 : f32
    %jit3A_64 = arith.constant 1 : i32
    %jit3A_65 = arith.constant 0 : i32
    %select_n3A_66 = arith.select %lt3A_63, %jit3A_64, %jit3A_65 : i32
    %add3A_67 = arith.addi %add3A_58, %select_n3A_66 : i32
    %get3A_68 = arith.constant 8 : i32
    %get3A_69 = arith.index_cast %get3A_68 : i32 to index
    %get3A_70 = memref.load %arg3[%get3A_69] : memref<24xf32, #tpu.memory_space<smem>>
    %lt3A_71 = arith.constant 1.000000e+00 : f32
    %lt3A_72 = arith.cmpf olt, %get3A_70, %lt3A_71 : f32
    %jit3A_73 = arith.constant 1 : i32
    %jit3A_74 = arith.constant 0 : i32
    %select_n3A_75 = arith.select %lt3A_72, %jit3A_73, %jit3A_74 : i32
    %add3A_76 = arith.addi %add3A_67, %select_n3A_75 : i32
    %get3A_77 = arith.constant 9 : i32
    %get3A_78 = arith.index_cast %get3A_77 : i32 to index
    %get3A_79 = memref.load %arg3[%get3A_78] : memref<24xf32, #tpu.memory_space<smem>>
    %lt3A_80 = arith.constant 1.000000e+00 : f32
    %lt3A_81 = arith.cmpf olt, %get3A_79, %lt3A_80 : f32
    %jit3A_82 = arith.constant 1 : i32
    %jit3A_83 = arith.constant 0 : i32
    %select_n3A_84 = arith.select %lt3A_81, %jit3A_82, %jit3A_83 : i32
    %add3A_85 = arith.addi %add3A_76, %select_n3A_84 : i32
    %get3A_86 = arith.constant 10 : i32
    %get3A_87 = arith.index_cast %get3A_86 : i32 to index
    %get3A_88 = memref.load %arg3[%get3A_87] : memref<24xf32, #tpu.memory_space<smem>>
    %lt3A_89 = arith.constant 1.000000e+00 : f32
    %lt3A_90 = arith.cmpf olt, %get3A_88, %lt3A_89 : f32
    %jit3A_91 = arith.constant 1 : i32
    %jit3A_92 = arith.constant 0 : i32
    %select_n3A_93 = arith.select %lt3A_90, %jit3A_91, %jit3A_92 : i32
    %add3A_94 = arith.addi %add3A_85, %select_n3A_93 : i32
    %get3A_95 = arith.constant 11 : i32
    %get3A_96 = arith.index_cast %get3A_95 : i32 to index
    %get3A_97 = memref.load %arg3[%get3A_96] : memref<24xf32, #tpu.memory_space<smem>>
    %lt3A_98 = arith.constant 1.000000e+00 : f32
    %lt3A_99 = arith.cmpf olt, %get3A_97, %lt3A_98 : f32
    %jit3A_100 = arith.constant 1 : i32
    %jit3A_101 = arith.constant 0 : i32
    %select_n3A_102 = arith.select %lt3A_99, %jit3A_100, %jit3A_101 : i32
    %add3A_103 = arith.addi %add3A_94, %select_n3A_102 : i32
    %get3A_104 = arith.constant 12 : i32
    %get3A_105 = arith.index_cast %get3A_104 : i32 to index
    %get3A_106 = memref.load %arg3[%get3A_105] : memref<24xf32, #tpu.memory_space<smem>>
    %swap3A = arith.constant 0 : i32
    %swap3A_107 = arith.index_cast %swap3A : i32 to index
    %swap3A_108 = memref.load %arg4[%swap3A_107] : memref<12xf32, #tpu.memory_space<smem>>
    memref.store %get3A_106, %arg4[%swap3A_107] : memref<12xf32, #tpu.memory_space<smem>>
    %get3A_109 = arith.constant 13 : i32
    %get3A_110 = arith.index_cast %get3A_109 : i32 to index
    %get3A_111 = memref.load %arg3[%get3A_110] : memref<24xf32, #tpu.memory_space<smem>>
    %swap3A_112 = arith.index_cast %add3A_4 : i32 to index
    %swap3A_113 = memref.load %arg4[%swap3A_112] : memref<12xf32, #tpu.memory_space<smem>>
    memref.store %get3A_111, %arg4[%swap3A_112] : memref<12xf32, #tpu.memory_space<smem>>
    %get3A_114 = arith.constant 14 : i32
    %get3A_115 = arith.index_cast %get3A_114 : i32 to index
    %get3A_116 = memref.load %arg3[%get3A_115] : memref<24xf32, #tpu.memory_space<smem>>
    %swap3A_117 = arith.index_cast %add3A_13 : i32 to index
    %swap3A_118 = memref.load %arg4[%swap3A_117] : memref<12xf32, #tpu.memory_space<smem>>
    memref.store %get3A_116, %arg4[%swap3A_117] : memref<12xf32, #tpu.memory_space<smem>>
    %get3A_119 = arith.constant 15 : i32
    %get3A_120 = arith.index_cast %get3A_119 : i32 to index
    %get3A_121 = memref.load %arg3[%get3A_120] : memref<24xf32, #tpu.memory_space<smem>>
    %swap3A_122 = arith.index_cast %add3A_22 : i32 to index
    %swap3A_123 = memref.load %arg4[%swap3A_122] : memref<12xf32, #tpu.memory_space<smem>>
    memref.store %get3A_121, %arg4[%swap3A_122] : memref<12xf32, #tpu.memory_space<smem>>
    %get3A_124 = arith.constant 16 : i32
    %get3A_125 = arith.index_cast %get3A_124 : i32 to index
    %get3A_126 = memref.load %arg3[%get3A_125] : memref<24xf32, #tpu.memory_space<smem>>
    %swap3A_127 = arith.index_cast %add3A_31 : i32 to index
    %swap3A_128 = memref.load %arg4[%swap3A_127] : memref<12xf32, #tpu.memory_space<smem>>
    memref.store %get3A_126, %arg4[%swap3A_127] : memref<12xf32, #tpu.memory_space<smem>>
    %get3A_129 = arith.constant 17 : i32
    %get3A_130 = arith.index_cast %get3A_129 : i32 to index
    %get3A_131 = memref.load %arg3[%get3A_130] : memref<24xf32, #tpu.memory_space<smem>>
    %swap3A_132 = arith.index_cast %add3A_40 : i32 to index
    %swap3A_133 = memref.load %arg4[%swap3A_132] : memref<12xf32, #tpu.memory_space<smem>>
    memref.store %get3A_131, %arg4[%swap3A_132] : memref<12xf32, #tpu.memory_space<smem>>
    %get3A_134 = arith.constant 18 : i32
    %get3A_135 = arith.index_cast %get3A_134 : i32 to index
    %get3A_136 = memref.load %arg3[%get3A_135] : memref<24xf32, #tpu.memory_space<smem>>
    %swap3A_137 = arith.index_cast %add3A_49 : i32 to index
    %swap3A_138 = memref.load %arg4[%swap3A_137] : memref<12xf32, #tpu.memory_space<smem>>
    memref.store %get3A_136, %arg4[%swap3A_137] : memref<12xf32, #tpu.memory_space<smem>>
    %get3A_139 = arith.constant 19 : i32
    %get3A_140 = arith.index_cast %get3A_139 : i32 to index
    %get3A_141 = memref.load %arg3[%get3A_140] : memref<24xf32, #tpu.memory_space<smem>>
    %swap3A_142 = arith.index_cast %add3A_58 : i32 to index
    %swap3A_143 = memref.load %arg4[%swap3A_142] : memref<12xf32, #tpu.memory_space<smem>>
    memref.store %get3A_141, %arg4[%swap3A_142] : memref<12xf32, #tpu.memory_space<smem>>
    %get3A_144 = arith.constant 20 : i32
    %get3A_145 = arith.index_cast %get3A_144 : i32 to index
    %get3A_146 = memref.load %arg3[%get3A_145] : memref<24xf32, #tpu.memory_space<smem>>
    %swap3A_147 = arith.index_cast %add3A_67 : i32 to index
    %swap3A_148 = memref.load %arg4[%swap3A_147] : memref<12xf32, #tpu.memory_space<smem>>
    memref.store %get3A_146, %arg4[%swap3A_147] : memref<12xf32, #tpu.memory_space<smem>>
    %get3A_149 = arith.constant 21 : i32
    %get3A_150 = arith.index_cast %get3A_149 : i32 to index
    %get3A_151 = memref.load %arg3[%get3A_150] : memref<24xf32, #tpu.memory_space<smem>>
    %swap3A_152 = arith.index_cast %add3A_76 : i32 to index
    %swap3A_153 = memref.load %arg4[%swap3A_152] : memref<12xf32, #tpu.memory_space<smem>>
    memref.store %get3A_151, %arg4[%swap3A_152] : memref<12xf32, #tpu.memory_space<smem>>
    %get3A_154 = arith.constant 22 : i32
    %get3A_155 = arith.index_cast %get3A_154 : i32 to index
    %get3A_156 = memref.load %arg3[%get3A_155] : memref<24xf32, #tpu.memory_space<smem>>
    %swap3A_157 = arith.index_cast %add3A_85 : i32 to index
    %swap3A_158 = memref.load %arg4[%swap3A_157] : memref<12xf32, #tpu.memory_space<smem>>
    memref.store %get3A_156, %arg4[%swap3A_157] : memref<12xf32, #tpu.memory_space<smem>>
    %get3A_159 = arith.constant 23 : i32
    %get3A_160 = arith.index_cast %get3A_159 : i32 to index
    %get3A_161 = memref.load %arg3[%get3A_160] : memref<24xf32, #tpu.memory_space<smem>>
    %swap3A_162 = arith.index_cast %add3A_94 : i32 to index
    %swap3A_163 = memref.load %arg4[%swap3A_162] : memref<12xf32, #tpu.memory_space<smem>>
    memref.store %get3A_161, %arg4[%swap3A_162] : memref<12xf32, #tpu.memory_space<smem>>
    %get3A_164 = arith.constant 12 : i32
    %get3A_165 = arith.index_cast %get3A_164 : i32 to index
    %get3A_166 = memref.load %arg3[%get3A_165] : memref<24xf32, #tpu.memory_space<smem>>
    %while3A = scf.while (%while3A_167 = %add3A_103) : (i32) -> i32 {
      %lt3A_168 = arith.constant 12 : i32
      %lt3A_169 = arith.cmpi slt, %while3A_167, %lt3A_168 : i32
      scf.condition(%lt3A_169) %while3A_167 : i32
    } do {
    ^bb0(%while3A_167: i32):
      %swap3A_168 = arith.index_cast %while3A_167 : i32 to index
      %swap3A_169 = memref.load %arg4[%swap3A_168] : memref<12xf32, #tpu.memory_space<smem>>
      memref.store %get3A_166, %arg4[%swap3A_168] : memref<12xf32, #tpu.memory_space<smem>>
      %add3A_170 = arith.constant 1 : i32
      %add3A_171 = arith.addi %while3A_167, %add3A_170 : i32
      scf.yield %add3A_171 : i32
    }
    "tpu.region"() ({
      %run_scoped3A = tpu.sem_alloc : memref<!tpu.dma_semaphore, #tpu.memory_space<semaphore_mem>>
      tpu.enqueue_dma source(%arg4 : memref<12xf32, #tpu.memory_space<smem>>) target(%arg2 : memref<12xf32, #tpu.memory_space<hbm>>) target_semaphore(%run_scoped3A : memref<!tpu.dma_semaphore, #tpu.memory_space<semaphore_mem>>)
      tpu.wait_dma2 semaphore(%run_scoped3A : memref<!tpu.dma_semaphore, #tpu.memory_space<semaphore_mem>>) src(%arg4 : memref<12xf32, #tpu.memory_space<smem>>) dst(%arg2 : memref<12xf32, #tpu.memory_space<hbm>>)
      tpu.yield
    }) : () -> ()
    return
  }
}

</mosaic_0001>

<sc_bundles>
// kernel: kernel.3.cloned.1.call-start
scs
__scs_entry_jumppad:
0x0: {  	(pc) =	sbr.rel $0x88, $3  }
0x1: {  	(tag) =	ssettag $0x0;
	lr =	simm.s32 $0x1  }
0x2: {  	[smem:$0x3F9F] =	sst lr;
	_ =	strace $0xD0000000  }
0x3: {  	_ = 	snop  }
0x4: {  	_ = 	snop  }
0x5: {  	_ = 	snop  }
0x6: {  	_ = 	snop  }
0x7: {  	_ = 	snop  }
__scs_overlays_trampoline_lowered:
0x8: {  	[smem:$0x3FAE] =	sst s0  }
0x9: {  	[smem:$0x3FAF] =	sst s1  }
0xa: {  	[smem:$0x3FB0] =	sst s2  }
0xb: {  	[smem:$0x3FB1] =	sst s3  }
0xc: {  	[smem:$0x3FB2] =	sst s4  }
0xd: {  	[smem:$0x3FB3] =	sst s5  }
0xe: {  	[smem:$0x3FB4] =	sst s6  }
0xf: {  	[smem:$0x3FB5] =	sst s7  }
0x10: {  	[smem:$0x3FB6] =	sst s8  }
0x11: {  	[smem:$0x3FB7] =	sst s9;
	s0 =	simm.s32 @!p0 $0x0  }
0x12: {  	s1 =	sld [smem:$0x3F9D];
	s0 =	simm.s32 @p0 $0x1  }
0x13: {  	[smem:$0x3FB8] =	sst s0;
	s0 =	simm.s32 @!p1 $0x0  }
0x14: {  	s2 =	sld [smem:$0x3F9C];
	s0 =	simm.s32 @p1 $0x1  }
0x15: {  	[smem:$0x3FB9] =	sst s0;
	s0 =	simm.s32 @!p2 $0x0  }
0x16: {  	s3 =	sld [smem:$0x3FDB];
	s0 =	simm.s32 @p2 $0x1  }
0x17: {  	s4 =	simm.s32 $0x1BF5;
	[smem:$0x3FBB] =	sst s0  }
0x18: {  	s0 =	sld [smem:$0x3F9E];
	_ =	swait.ge [sflag:s4], $0x0  }
0x19: {  	s7 =	sld [smem:$0x3F9F]  }
0x1a: {  	s8 =	sadd.s32 $0xFFFFE003, lr  }
0x1b: {  	s9 =	sadd.s32 $0xFFFFFEF7, lr;
	s5 =	simm.s32 $0xFFFFFFFF;
	p2 =	slt.u32 s8, $0xFFFFF086  }
0x1c: {  	p1 =	slt.u32 s9, $0xF7A;
	s5 =	simm.s32 @!p2 $0x0  }
0x1d: {  	s5 =	simm.s32 @p1 $0x1;
	p0 =	seq.s32 s7, s2  }
0x1e: {  	s7 =	smul.u32 @!p0 $0xF7A, s2;
	p2 =	seq.s32 @!p0 s5, $0x0  }
0x1f: {  	s9 =	smul.u32 $0xF7A, s1;
	s8 =	simm.s32 @!p0 $0x1BF5;
	p2 =	por !p2, p0  }
0x20: {  	[sflag:s8] =	ssyncset.s32 @!p0 $0xFFFFF086;
	s6 =	sadd.s32 @!p0 s3, s7;
	s7 =	simm.s32 @!p0 $0x108  }
0x21: {  	s3 =	sadd.s32 s3, s9;
	s6 =	sadd.s32 @!p0 $0x88, s6;
	s7 =	simm.s32 @p2 $0x1082  }
0x22: {  	[simem:s7], [sflag:s8] =	dma.local @!p0 [hbm:s6], $0xF7A  }
0x23: {  	s9 =	sor.u32 $0xD0000000, s2;
	s6 =	simm.s32 $0x108;
	_ =	swait.ge @!p0 [sflag:s8], $0x0  }
0x24: {  	s3 =	sadd.s32 $0x88, s3;
	s6 =	simm.s32 @!p1 $0x1082;
	[sflag:s4] =	ssyncset.s32 $0xFFFFF086  }
0x25: {  	[simem:s6], [sflag:s4] =	dma.local [hbm:s3], $0xF7A  }
0x26: {  	[smem:$0x3F9F] =	sst s1;
	(tag) =	ssettag s2;
	_ =	strace s9  }
0x27: {  	s1 =	sld [smem:$0x3FAF]  }
0x28: {  	s2 =	sld [smem:$0x3FB0]  }
0x29: {  	s4 =	sld [smem:$0x3FB2]  }
0x2a: {  	p0 =	seq.s32 s5, $0x0;
	s5 =	sld [smem:$0x3FB3]  }
0x2b: {  	s6 =	sld [smem:$0x3FB4]  }
0x2c: {  	s7 =	sld [smem:$0x3FB5]  }
0x2d: {  	s3 =	simm.s32 $0x108;
	s8 =	sld [smem:$0x3FB6]  }
0x2e: {  	s3 =	simm.s32 @!p0 $0x1082;
	s9 =	sld [smem:$0x3FB7]  }
0x2f: {  	lr =	sadd.s32 s0, s3;
	s0 =	sld [smem:$0x3FAE]  }
0x30: {  	s3 =	sld [smem:$0x3FB1]  }
0x31: {  	[smem:$0x3FBA] =	sst s10  }
0x32: {  	s10 =	sld [smem:$0x3FB8];
	_ =	sdelay $0x3  }
0x33: {  	p0 =	seq.s32 s10, $0x1;
	s10 =	sld [smem:$0x3FBA];
	_ =	sdelay $0x3  }
0x34: {  	[smem:$0x3FBA] =	sst s10  }
0x35: {  	s10 =	sld [smem:$0x3FB9];
	_ =	sdelay $0x3  }
0x36: {  	p1 =	seq.s32 s10, $0x1;
	s10 =	sld [smem:$0x3FBA];
	_ =	sdelay $0x3  }
0x37: {  	[smem:$0x3FBA] =	sst s10  }
0x38: {  	s10 =	sld [smem:$0x3FBB]  }
0x39: {  	_ = 	snop;
	(pc) =	sbr.ind lr, $3  }
0x3a: {  	_ = 	snop  }
0x3b: {  	_ = 	snop  }
0x3c: {  	p2 =	seq.s32 s10, $0x1;
	s10 =	sld [smem:$0x3FBA]  }
0x3d: {  	_ =	shalt  }
0x3e: {  	_ =	shalt  }
0x3f: {  	_ =	shalt  }
0x40: {  	_ =	shalt  }
0x41: {  	_ =	shalt  }
0x42: {  	_ =	shalt  }
0x43: {  	_ =	shalt  }
0x44: {  	_ =	shalt  }
0x45: {  	_ =	shalt  }
0x46: {  	_ =	shalt  }
0x47: {  	_ =	shalt  }
0x48: {  	_ =	shalt  }
0x49: {  	_ =	shalt  }
0x4a: {  	_ =	shalt  }
0x4b: {  	_ =	shalt  }
0x4c: {  	_ =	shalt  }
0x4d: {  	_ =	shalt  }
0x4e: {  	_ =	shalt  }
0x4f: {  	_ =	shalt  }
0x50: {  	_ =	shalt  }
0x51: {  	_ =	shalt  }
0x52: {  	_ =	shalt  }
0x53: {  	_ =	shalt  }
0x54: {  	_ =	shalt  }
0x55: {  	_ =	shalt  }
0x56: {  	_ =	shalt  }
0x57: {  	_ =	shalt  }
0x58: {  	_ =	shalt  }
0x59: {  	_ =	shalt  }
0x5a: {  	_ =	shalt  }
0x5b: {  	_ =	shalt  }
0x5c: {  	_ =	shalt  }
0x5d: {  	_ =	shalt  }
0x5e: {  	_ =	shalt  }
0x5f: {  	_ =	shalt  }
0x60: {  	_ =	shalt  }
0x61: {  	_ =	shalt  }
0x62: {  	_ =	shalt  }
0x63: {  	_ =	shalt  }
0x64: {  	_ =	shalt  }
0x65: {  	_ =	shalt  }
0x66: {  	_ =	shalt  }
0x67: {  	_ =	shalt  }
0x68: {  	_ =	shalt  }
0x69: {  	_ =	shalt  }
0x6a: {  	_ =	shalt  }
0x6b: {  	_ =	shalt  }
0x6c: {  	_ =	shalt  }
0x6d: {  	_ =	shalt  }
0x6e: {  	_ =	shalt  }
0x6f: {  	_ =	shalt  }
0x70: {  	_ =	shalt  }
0x71: {  	_ =	shalt  }
0x72: {  	_ =	shalt  }
0x73: {  	_ =	shalt  }
0x74: {  	_ =	shalt  }
0x75: {  	_ =	shalt  }
0x76: {  	_ =	shalt  }
0x77: {  	_ =	shalt  }
0x78: {  	_ =	shalt  }
0x79: {  	_ =	shalt  }
0x7a: {  	_ =	shalt  }
0x7b: {  	_ =	shalt  }
0x7c: {  	_ =	shalt  }
0x7d: {  	_ =	shalt  }
0x7e: {  	_ =	shalt  }
0x7f: {  	_ =	shalt  }
0x80: {  	_ =	shalt  }
0x81: {  	_ =	shalt  }
0x82: {  	_ =	shalt  }
0x83: {  	_ =	shalt  }
0x84: {  	_ =	shalt  }
0x85: {  	_ =	shalt  }
0x86: {  	_ =	shalt  }
0x87: {  	_ =	shalt  }
.Lfunc_end0:
.L_simem_size_0:
called_computation_lowered:
.L_overlay_start_0:
0x88: {  	s0 =	sld [smem:$0x3FD9]  }
0x89: {  	s1 =	sld [smem:$0x3FFE];
	_ =	sdelay $0x3  }
0x8a: {  	s0 =	sadd.s32 s1, s0  }
0x8b: {  	[smem:$0x3FC6] =	sst s0  }
0x8c: {  	_ = 	snop  }
0x8d: {  	s0 =	sld [smem:$0x3FD0];
	(tm) =	ssettm $0x1  }
0x8e: {  	s22 =	sld [smem:$0x3FFB];
	_ =	sdelay $0x3  }
0x8f: {  	_ =	strace s22  }
0x90: {  	s1 =	sld [smem:$0x3FFC];
	_ =	sdelay $0x3  }
0x91: {  	_ =	strace s1  }
0x92: {  	s1 =	sld [smem:$0x3FFD];
	_ =	sdelay $0x3  }
0x93: {  	_ =	strace s1  }
0x94: {  	s23 =	simm.s32 $0x1B8B;
	_ =	strace $0x8FFFFFFF  }
0x95: {  	_ =	swait.ge [sflag:s23], $0x1  }
0x96: {  	s2 =	sld [smem:$0x3FFE]  }
0x97: {  	[sflag:s23] =	ssyncset.done $0x0  }
0x98: {  	s24 =	simm.s32 $0x1B8E;
	[sflag:s23] =	ssyncadd.s32 $0xFFFFFFFF  }
0x99: {  	s3 =	simm.s32 $0x10;
	[smem:$0x3FD2] =	sst s24  }
0x9a: {  	s1 =	simm.s32 $0x9;
	_ =	strace $0x80000046;
	s2 =	sadd.s32 $0x600, s2  }
0x9b: {  	[smem:s3], [sflag:s1] =	dma.local [hbm:s2], $0x10  }
0x9c: {  	_ =	swait.ge [sflag:s1], $0x10  }
0x9d: {  	[sflag:s1] =	ssyncset.done $0x0  }
0x9e: {  	[sflag:s1] =	ssyncadd.s32 $0xFFFFFFF0  }
0x9f: {  	s5 =	sld [smem:$0x10]  }
0xa0: {  	s6 =	sld [smem:$0x11]  }
0xa1: {  	s7 =	sld [smem:$0x12]  }
0xa2: {  	s8 =	sld [smem:$0x13]  }
0xa3: {  	s9 =	sld [smem:$0x14]  }
0xa4: {  	s10 =	sld [smem:$0x15]  }
0xa5: {  	s11 =	sld [smem:$0x16]  }
0xa6: {  	s12 =	sld [smem:$0x17]  }
0xa7: {  	s13 =	sld [smem:$0x18]  }
0xa8: {  	s14 =	sld [smem:$0x1C]  }
0xa9: {  	s4 =	sld [smem:$0x19]  }
0xaa: {  	s25 =	sld [smem:$0x1A]  }
0xab: {  	s26 =	sld [smem:$0x1B]  }
0xac: {  	[smem:$0x90] =	sst s14  }
0xad: {  	p0 =	slt.f32 s5, $1.000000000e+00;
	s28 =	sld [smem:$0x1D]  }
0xae: {  	s14 =	simm.s32 $0x1  }
0xaf: {  	s14 =	simm.s32 @!p0 $0x0  }
0xb0: {  	s15 =	sor.u32 $0x90, s14  }
0xb1: {  	p0 =	slt.f32 s6, $1.000000000e+00;
	[smem:s15] =	sst s28  }
0xb2: {  	s5 =	simm.s32 $0x1;
	s29 =	sld [smem:$0x1E]  }
0xb3: {  	s5 =	simm.s32 @!p0 $0x0  }
0xb4: {  	s5 =	sadd.s32 s14, s5  }
0xb5: {  	s14 =	sor.u32 $0x90, s5  }
0xb6: {  	p0 =	slt.f32 s7, $1.000000000e+00;
	[smem:s14] =	sst s29  }
0xb7: {  	s6 =	simm.s32 $0x1;
	s30 =	sld [smem:$0x1F]  }
0xb8: {  	s6 =	simm.s32 @!p0 $0x0  }
0xb9: {  	s5 =	sadd.s32 s6, s5  }
0xba: {  	s6 =	sor.u32 $0x90, s5  }
0xbb: {  	p0 =	slt.f32 s8, $1.000000000e+00;
	[smem:s6] =	sst s30  }
0xbc: {  	s6 =	simm.s32 $0x1;
	s7 =	sld [smem:$0x20]  }
0xbd: {  	s6 =	simm.s32 @!p0 $0x0  }
0xbe: {  	s5 =	sadd.s32 s6, s5  }
0xbf: {  	s6 =	sor.u32 $0x90, s5  }
0xc0: {  	p0 =	slt.f32 s9, $1.000000000e+00;
	[smem:s6] =	sst s7  }
0xc1: {  	s6 =	simm.s32 $0x1;
	s7 =	sld [smem:$0x21]  }
0xc2: {  	s6 =	simm.s32 @!p0 $0x0  }
0xc3: {  	s5 =	sadd.s32 s6, s5  }
0xc4: {  	s6 =	sadd.s32 $0x90, s5  }
0xc5: {  	p0 =	slt.f32 s10, $1.000000000e+00;
	[smem:s6] =	sst s7  }
0xc6: {  	s6 =	simm.s32 $0x1;
	s7 =	sld [smem:$0x22]  }
0xc7: {  	s6 =	simm.s32 @!p0 $0x0  }
0xc8: {  	s5 =	sadd.s32 s6, s5  }
0xc9: {  	s6 =	sadd.s32 $0x90, s5  }
0xca: {  	p0 =	slt.f32 s11, $1.000000000e+00;
	[smem:s6] =	sst s7  }
0xcb: {  	s6 =	simm.s32 $0x1;
	s7 =	sld [smem:$0x23]  }
0xcc: {  	s6 =	simm.s32 @!p0 $0x0  }
0xcd: {  	s5 =	sadd.s32 s6, s5  }
0xce: {  	s6 =	sadd.s32 $0x90, s5  }
0xcf: {  	p0 =	slt.f32 s12, $1.000000000e+00;
	[smem:s6] =	sst s7  }
0xd0: {  	s6 =	simm.s32 $0x1;
	s7 =	sld [smem:$0x24]  }
0xd1: {  	s6 =	simm.s32 @!p0 $0x0  }
0xd2: {  	s5 =	sadd.s32 s6, s5  }
0xd3: {  	s6 =	sadd.s32 $0x90, s5  }
0xd4: {  	p0 =	slt.f32 s13, $1.000000000e+00;
	[smem:s6] =	sst s7  }
0xd5: {  	s6 =	simm.s32 $0x1;
	s7 =	sld [smem:$0x25]  }
0xd6: {  	s6 =	simm.s32 @!p0 $0x0  }
0xd7: {  	s5 =	sadd.s32 s6, s5  }
0xd8: {  	p0 =	slt.f32 s4, $1.000000000e+00;
	s6 =	sadd.s32 $0x90, s5  }
0xd9: {  	s4 =	simm.s32 $0x1;
	[smem:s6] =	sst s7  }
0xda: {  	s4 =	simm.s32 @!p0 $0x0;
	p0 =	slt.f32 s25, $1.000000000e+00;
	s6 =	sld [smem:$0x26]  }
0xdb: {  	p1 =	slt.f32 s26, $1.000000000e+00;
	s4 =	sadd.s32 s4, s5;
	s5 =	simm.s32 $0x1  }
0xdc: {  	s2 =	simm.s32 $0x1;
	s5 =	simm.s32 @!p0 $0x0  }
0xdd: {  	s2 =	simm.s32 @!p1 $0x0;
	s31 =	sadd.s32 $0x90, s4;
	s5 =	sadd.s32 s5, s4  }
0xde: {  	s4 =	sadd.s32 s2, s5;
	[smem:s31] =	sst s6  }
0xdf: {  	p0 =	sgt.u32 s4, $0xB;
	s3 =	sld [smem:$0x27]  }
.Ltmp0:
0xe0: {  	_ = 	snop;
	(pc) =	sbr.rel @p0 .LBB1_3-.Ltmp0, $3  }
0xe1: {  	_ = 	snop  }
0xe2: {  	s5 =	sadd.s32 $0x90, s5  }
0xe3: {  	s2 =	srdreg.scid;
	[smem:s5] =	sst s3  }
0xe4: {  	s5 =	sadd.s32 $0xFFFFFFFF, s4  }
0xe5: {  	s31 =	sshll.u32 s4, $0x2;
	s4 =	sadd.s32 $0x1, s5  }
0xe6: {  	s3 =	sld [smem:$0x1C];
	p0 =	slt.u32 s4, $0xB  }
.Ltmp1:
0xe7: {  	_ = 	snop;
	(pc) =	sbr.rel @!p0 .LBB1_3-.Ltmp1, $3  }
0xe8: {  	s6 =	sshra.s32 s31, $0x2  }
0xe9: {  	s5 =	sadd.s32 $0x90, s6  }
0xea: {  	[smem:s5] =	sst s3  }
.LBB1_2:
0xeb: {  	s4 =	sadd.s32 $0x1, s4  }
0xec: {  	p0 =	slt.u32 s4, $0xB  }
.Ltmp2:
0xed: {  	_ = 	snop;
	(pc) =	sbr.rel @p0 .LBB1_2-.Ltmp2, $3  }
0xee: {  	_ = 	snop  }
0xef: {  	s5 =	sadd.s32 $0x1, s5  }
0xf0: {  	[smem:s5] =	sst s3  }
.LBB1_3:
0xf1: {  	s3 =	simm.s32 $0x90  }
0xf2: {  	[hbm:s0], [sflag:s1] =	dma.local [smem:s3], $0x10  }
0xf3: {  	_ =	swait.ge [sflag:s1], $0x10  }
0xf4: {  	[sflag:s1] =	ssyncset.done $0x0  }
0xf5: {  	[sflag:s1] =	ssyncadd.s32 $0xFFFFFFF0  }
0xf6: {  	_ =	strace $0x90000046  }
0xf7: {  	_ =	sfence  }
0xf8: {  	s28 =	sld [smem:$0x0];
	_ =	sdelay $0x2  }
0xf9: {  	s29 =	sshll.u32 s2, $0xD;
	s30 =	sshrl.u32 s2, $0x2  }
0xfa: {  	s31 =	sand.u32 $0x1, s2;
	s1 =	sand.u32 $0x4000, s29;
	s0 =	sadd.s32 s30, s28  }
0xfb: {  	s1 =	sor.u32 s1, s31;
	s0 =	sshll.u32 s0, $0x11  }
0xfc: {  	s0 =	sor.u32 s0, s1  }
0xfd: {  	s0 =	sadd.s32 $0x8F2B, s0;
	(pc) =	sbr.abs _section_cstart, $3  }
0xfe: {  	[sflag:s0] =	ssyncadd.remote.s32 $0x1  }
0xff: {  	_ =	strace $0x9FFFFFFF  }
0x100: {  	(tm) =	ssettm $0x7FFFFFFF  }
0x101: {  	_ =	shalt  }

</sc_bundles>
